<compile_context>
chip_gen: v7x
topology: tpu7x:2x2x1
jax: 0.10.2.dev20260603
libtpu: 0.0.44.dev20260713+nightly
codegen_flags: <defaults>
</compile_context>

<pallas_src>
import functools

import jax
import jax.numpy as jnp
from jax import lax
from jax.experimental import pallas as pl
from jax.experimental.pallas import tpu as pltpu
from jax.experimental.pallas import tpu_sc as plsc

B = 4096
TERM_DIM = 300
REL_DIM = 10
REL_PAD = 16
KSTRIDE = 384
NC = 2
NS = 16
NW = NC * NS
BPW = B // NW

BLK = 512
NBB = B // BLK


@functools.cache
def _make_sc_rel_gather():
    mesh = plsc.VectorSubcoreMesh(
        core_axis_name="c", subcore_axis_name="s", num_cores=NC, num_subcores=NS
    )

    @functools.partial(
        pl.kernel,
        out_type=jax.ShapeDtypeStruct((B, REL_PAD), jnp.float32),
        mesh=mesh,
        scratch_types=[
            pltpu.VMEM((BPW,), jnp.int32),
            pltpu.VMEM((BPW, REL_PAD), jnp.float32),
            pltpu.SemaphoreType.DMA,
        ],
        compiler_params=pltpu.CompilerParams(use_tc_tiling_on_sc=False),
    )
    def _sc_rel_gather(rels_hbm, rtab_hbm, out_hbm, idx, rows, sem):
        wid = lax.axis_index("s") * NC + lax.axis_index("c")
        base = wid * BPW
        pltpu.sync_copy(rels_hbm.at[pl.ds(base, BPW)], idx)
        pltpu.async_copy(rtab_hbm.at[idx], rows, sem).wait()
        pltpu.sync_copy(rows, out_hbm.at[pl.ds(base, BPW)])

    return _sc_rel_gather


def _fused_body(idxL_sm, idxR_sm, table_ref, b_ref, tm_ref, to_ref, W_ref,
                rel_ref, out_ref, bufL, bufR, semL, semR):
    bb = pl.program_id(0)
    slot = lax.rem(bb, 2)
    nslot = lax.rem(bb + 1, 2)

    def issue_block(blk, dst_slot):
        def issue(r, _):
            iL = idxL_sm[blk * BLK + r]
            iR = idxR_sm[blk * BLK + r]
            pltpu.make_async_copy(
                table_ref.at[pl.ds(iL, 1), :],
                bufL.at[dst_slot, pl.ds(r, 1), :], semL.at[dst_slot]
            ).start()
            pltpu.make_async_copy(
                table_ref.at[pl.ds(iR, 1), :],
                bufR.at[dst_slot, pl.ds(r, 1), :], semR.at[dst_slot]
            ).start()
            return 0

        lax.fori_loop(0, BLK, issue, 0, unroll=4)

    @pl.when(bb == 0)
    def _prologue():
        issue_block(0, slot)

    @pl.when(bb + 1 < NBB)
    def _issue_next():
        issue_block(bb + 1, nslot)

    pltpu.make_async_copy(
        table_ref.at[pl.ds(0, BLK), :], bufL.at[slot], semL.at[slot]
    ).wait()
    pltpu.make_async_copy(
        table_ref.at[pl.ds(0, BLK), :], bufR.at[slot], semR.at[slot]
    ).wait()

    zL = bufL[slot].astype(jnp.bfloat16)
    z = jnp.dot(zL, W_ref[...], preferred_element_type=jnp.float32)
    r = bufR[slot]
    acc = jnp.zeros((BLK, 1), jnp.float32)
    for k in range(REL_DIM):
        s = jnp.sum(z[:, KSTRIDE * k:KSTRIDE * k + TERM_DIM] * r, axis=1,
                    keepdims=True)
        acc += (s + b_ref[k]) * rel_ref[:, k:k + 1]
    out_ref[...] = acc * tm_ref[0] + to_ref[0]


@functools.cache
def _make_fused():
    grid_spec = pltpu.PrefetchScalarGridSpec(
        num_scalar_prefetch=2,
        grid=(NBB,),
        in_specs=[
            pl.BlockSpec(memory_space=pltpu.MemorySpace.HBM),
            pl.BlockSpec(memory_space=pltpu.MemorySpace.SMEM),
            pl.BlockSpec(memory_space=pltpu.MemorySpace.SMEM),
            pl.BlockSpec(memory_space=pltpu.MemorySpace.SMEM),
            pl.BlockSpec((TERM_DIM, REL_DIM * KSTRIDE),
                         lambda bb, iL, iR: (0, 0)),
            pl.BlockSpec((BLK, REL_PAD), lambda bb, iL, iR: (bb, 0)),
        ],
        out_specs=pl.BlockSpec((BLK, 1), lambda bb, iL, iR: (bb, 0)),
        scratch_shapes=[
            pltpu.VMEM((2, BLK, TERM_DIM), jnp.float32),
            pltpu.VMEM((2, BLK, TERM_DIM), jnp.float32),
            pltpu.SemaphoreType.DMA((2,)),
            pltpu.SemaphoreType.DMA((2,)),
        ],
    )
    return pl.pallas_call(
        _fused_body,
        grid_spec=grid_spec,
        out_shape=jax.ShapeDtypeStruct((B, 1), jnp.float32),
        compiler_params=pltpu.CompilerParams(
            dimension_semantics=("arbitrary",),
        ),
    )


def kernel(rels, terms_L, terms_R, term_table, rel_table, W, b,
           truth_multiplier, truth_offset):
    rtab_pad = jnp.pad(rel_table, ((0, 0), (0, REL_PAD - REL_DIM)))
    gRel = _make_sc_rel_gather()(rels, rtab_pad)
    w_flat = jnp.pad(jnp.transpose(W, (1, 0, 2)),
                     ((0, 0), (0, 0), (0, KSTRIDE - TERM_DIM)))
    w_flat = jnp.reshape(w_flat, (TERM_DIM, REL_DIM * KSTRIDE))
    w_flat = w_flat.astype(jnp.bfloat16)
    tm = jnp.reshape(truth_multiplier, (1,)).astype(jnp.float32)
    to = jnp.reshape(truth_offset, (1,)).astype(jnp.float32)
    out = _make_fused()(terms_L, terms_R, term_table, b, tm, to, w_flat, gRel)
    return out[:, 0]

# --- scband reference (transcript-rebuilt; emitter-appended) ---
"""Pipeline reference for scband-semantic-matching-model-54417235641092 (READ-ONLY COPY).

The authoritative reference and input builder live on the scoring server;
editing this copy changes nothing except your own understanding.
"""

import jax, jax.numpy as jnp
import numpy as np

VOCAB = 100000
N_RELS = 34
TERM_DIM = 300
REL_DIM = 10
B = 4096


def setup_inputs(seed: int = 0) -> dict:
    key = jax.random.key(seed)
    k1, k2, k3, k4, k5, k6, k7 = jax.random.split(key, 7)
    rels = jax.random.randint(k1, (B,), 0, N_RELS)
    terms_L = jax.random.randint(k2, (B,), 0, VOCAB)
    terms_R = jax.random.randint(k3, (B,), 0, VOCAB)
    # Learned parameters
    term_table = jax.random.normal(k4, (VOCAB, TERM_DIM), dtype=jnp.float32)
    rel_table = jax.random.normal(k5, (N_RELS, REL_DIM), dtype=jnp.float32)
    W = jax.random.normal(k6, (REL_DIM, TERM_DIM, TERM_DIM), dtype=jnp.float32) * (1.0 / np.sqrt(TERM_DIM))
    b = jax.random.normal(k7, (REL_DIM,), dtype=jnp.float32) * 0.01
    # reset_synonym_relation: first bilinear slice is identity; Synonym relation vector is e0
    W = W.at[0].set(jnp.eye(TERM_DIM, dtype=jnp.float32))
    rel_table = rel_table.at[0].set(0.0)
    rel_table = rel_table.at[0, 0].set(1.0)
    truth_multiplier = jnp.array(5.0, dtype=jnp.float32)
    truth_offset = jnp.array(-3.0, dtype=jnp.float32)
    return {
        "rels": rels,
        "terms_L": terms_L,
        "terms_R": terms_R,
        "term_table": term_table,
        "rel_table": rel_table,
        "W": W,
        "b": b,
        "truth_multiplier": truth_multiplier,
        "truth_offset": truth_offset,
    }


def reference(rels, terms_L, terms_R, term_table, rel_table, W, b, truth_multiplier, truth_offset):
    # Embedding lookups (SparseCore gathers)
    rels_b_i = jnp.take(rel_table, rels, axis=0)          # [B, REL_DIM]
    terms_b_L = jnp.take(term_table, terms_L, axis=0)     # [B, TERM_DIM]
    terms_b_R = jnp.take(term_table, terms_R, axis=0)     # [B, TERM_DIM]
    # nn.Bilinear: out[b,k] = sum_ij L[b,i] * W[k,i,j] * R[b,j] + bias[k]
    inter_b_i = jnp.einsum('bi,kij,bj->bk', terms_b_L, W, terms_b_R) + b  # [B, REL_DIM]
    relmatch_b_i = inter_b_i * rels_b_i
    energy_b = jnp.sum(relmatch_b_i, axis=1)
    return energy_b * truth_multiplier + truth_offset

if __name__ == "__main__":
    import jax
    _d = setup_inputs()
    print(jax.jit(kernel)(*tuple(_d.values())))

</pallas_src>

<mosaic_0001>
#map = affine_map<(d0, d1) -> (0)>
#map1 = affine_map<(d0, d1) -> (0, 0)>
module attributes {stable_mosaic.version = 14 : i64} {
  func.func @_sc_rel_gather(%arg0: i32, %arg1: i32, %arg2: memref<4096xi32, #tpu.memory_space<hbm>>, %arg3: memref<34x16xf32, #tpu.memory_space<hbm>>, %arg4: memref<4096x16xf32, #tpu.memory_space<hbm>>, %arg5: memref<128xi32, #tpu.memory_space<vmem>>, %arg6: memref<128x16xf32, #tpu.memory_space<vmem>>, %arg7: memref<!tpu.dma_semaphore, #tpu.memory_space<semaphore_mem>>) attributes {dimension_semantics = [#tpu.dimension_semantics<core_parallel>, #tpu.dimension_semantics<subcore_parallel>], iteration_bounds = array<i64: 2, 16>, scalar_prefetch = 0 : i64, scratch_operands = 3 : i64, tpu.core_type = #tpu.core_type<sc_vector_subcore>, window_params = [{transform_indices = #map}, {transform_indices = #map1}, {transform_indices = #map1}]} {
    %mul3A = arith.constant 2 : i32
    %mul3A_0 = arith.muli %arg1, %mul3A : i32
    %add3A = arith.addi %mul3A_0, %arg0 : i32
    %mul3A_1 = arith.constant 128 : i32
    %mul3A_2 = arith.muli %add3A, %mul3A_1 : i32
    "tpu.region"() ({
      %run_scoped3A = tpu.sem_alloc : memref<!tpu.dma_semaphore, #tpu.memory_space<semaphore_mem>>
      %dma_start3A_7 = tpu.memref_slice %arg2[%mul3A_2] : memref<4096xi32, #tpu.memory_space<hbm>> -> memref<128xi32, #tpu.memory_space<hbm>>
      %dma_start3A_8 = tpu.memref_slice %arg2[%mul3A_2] : memref<4096xi32, #tpu.memory_space<hbm>> -> memref<128xi32, #tpu.memory_space<hbm>>
      tpu.enqueue_dma source(%dma_start3A_8 : memref<128xi32, #tpu.memory_space<hbm>>) target(%arg5 : memref<128xi32, #tpu.memory_space<vmem>>) target_semaphore(%run_scoped3A : memref<!tpu.dma_semaphore, #tpu.memory_space<semaphore_mem>>)
      %dma_wait3A_9 = tpu.memref_slice %arg2[%mul3A_2] : memref<4096xi32, #tpu.memory_space<hbm>> -> memref<128xi32, #tpu.memory_space<hbm>>
      %dma_wait3A_10 = tpu.memref_slice %arg2[%mul3A_2] : memref<4096xi32, #tpu.memory_space<hbm>> -> memref<128xi32, #tpu.memory_space<hbm>>
      tpu.wait_dma2 semaphore(%run_scoped3A : memref<!tpu.dma_semaphore, #tpu.memory_space<semaphore_mem>>) src(%dma_wait3A_10 : memref<128xi32, #tpu.memory_space<hbm>>) dst(%arg5 : memref<128xi32, #tpu.memory_space<vmem>>)
      tpu.yield
    }) : () -> ()
    %dma_start3A = arith.constant 0 : i32
    %dma_start3A_3 = arith.constant 0 : i32
    %dma_start3A_4 = tpu.memref_slice %arg3[%dma_start3A, %dma_start3A_3] : memref<34x16xf32, #tpu.memory_space<hbm>> -> memref<34x16xf32, #tpu.memory_space<hbm>>
    tpu.enqueue_indirect_dma source(%dma_start3A_4 : memref<34x16xf32, #tpu.memory_space<hbm>>) target(%arg6 : memref<128x16xf32, #tpu.memory_space<vmem>>) offsets(%arg5 : memref<128xi32, #tpu.memory_space<vmem>>) semaphore(%arg7 : memref<!tpu.dma_semaphore, #tpu.memory_space<semaphore_mem>>)
    %dma_wait3A = arith.constant 0 : i32
    %dma_wait3A_5 = arith.constant 0 : i32
    %dma_wait3A_6 = tpu.memref_slice %arg3[%dma_wait3A, %dma_wait3A_5] : memref<34x16xf32, #tpu.memory_space<hbm>> -> memref<34x16xf32, #tpu.memory_space<hbm>>
    tpu.wait_indirect_dma semaphore(%arg7 : memref<!tpu.dma_semaphore, #tpu.memory_space<semaphore_mem>>) src(%dma_wait3A_6 : memref<34x16xf32, #tpu.memory_space<hbm>>) dst(%arg6 : memref<128x16xf32, #tpu.memory_space<vmem>>)
    "tpu.region"() ({
      %run_scoped3A = tpu.sem_alloc : memref<!tpu.dma_semaphore, #tpu.memory_space<semaphore_mem>>
      %dma_start3A_7 = arith.constant 0 : i32
      %dma_start3A_8 = tpu.memref_slice %arg4[%mul3A_2, %dma_start3A_7] : memref<4096x16xf32, #tpu.memory_space<hbm>> -> memref<128x16xf32, #tpu.memory_space<hbm>>
      %dma_start3A_9 = arith.constant 0 : i32
      %dma_start3A_10 = tpu.memref_slice %arg4[%mul3A_2, %dma_start3A_9] : memref<4096x16xf32, #tpu.memory_space<hbm>> -> memref<128x16xf32, #tpu.memory_space<hbm>>
      tpu.enqueue_dma source(%arg6 : memref<128x16xf32, #tpu.memory_space<vmem>>) target(%dma_start3A_10 : memref<128x16xf32, #tpu.memory_space<hbm>>) target_semaphore(%run_scoped3A : memref<!tpu.dma_semaphore, #tpu.memory_space<semaphore_mem>>)
      %dma_wait3A_11 = arith.constant 0 : i32
      %dma_wait3A_12 = tpu.memref_slice %arg4[%mul3A_2, %dma_wait3A_11] : memref<4096x16xf32, #tpu.memory_space<hbm>> -> memref<128x16xf32, #tpu.memory_space<hbm>>
      %dma_wait3A_13 = arith.constant 0 : i32
      %dma_wait3A_14 = tpu.memref_slice %arg4[%mul3A_2, %dma_wait3A_13] : memref<4096x16xf32, #tpu.memory_space<hbm>> -> memref<128x16xf32, #tpu.memory_space<hbm>>
      tpu.wait_dma2 semaphore(%run_scoped3A : memref<!tpu.dma_semaphore, #tpu.memory_space<semaphore_mem>>) src(%arg6 : memref<128x16xf32, #tpu.memory_space<vmem>>) dst(%dma_wait3A_14 : memref<128x16xf32, #tpu.memory_space<hbm>>)
      tpu.yield
    }) : () -> ()
    return
  }
}

module attributes {stable_mosaic.version = 14 : i64} {
  func.func @_fused_body(%arg0: i32, %arg1: memref<4096xi32, #tpu.memory_space<smem>>, %arg2: memref<4096xi32, #tpu.memory_space<smem>>, %arg3: memref<100000x300xf32, #tpu.memory_space<hbm>>, %arg4: memref<10xf32, #tpu.memory_space<smem>>, %arg5: memref<1xf32, #tpu.memory_space<smem>>, %arg6: memref<1xf32, #tpu.memory_space<smem>>, %arg7: memref<300x3840xbf16, #tpu.memory_space<vmem>>, %arg8: memref<512x16xf32, #tpu.memory_space<vmem>>, %arg9: memref<512x1xf32, #tpu.memory_space<vmem>>, %arg10: memref<2x512x300xf32, #tpu.memory_space<vmem>>, %arg11: memref<2x512x300xf32, #tpu.memory_space<vmem>>, %arg12: memref<2x!tpu.dma_semaphore, #tpu.memory_space<semaphore_mem>>, %arg13: memref<2x!tpu.dma_semaphore, #tpu.memory_space<semaphore_mem>>) attributes {dimension_semantics = [#tpu.dimension_semantics<arbitrary>], iteration_bounds = array<i64: 8>, scalar_prefetch = 2 : i64, scratch_operands = 4 : i64, tpu.core_type = #tpu.core_type<tc>, window_params = [{}, {transform_indices = @transform_1, window_bounds = array<i64: 10>}, {transform_indices = @transform_2, window_bounds = array<i64: 1>}, {transform_indices = @transform_3, window_bounds = array<i64: 1>}, {pipeline_mode = #tpu.pipeline_mode<synchronous>, transform_indices = @transform_4, window_bounds = array<i64: 300, 3840>}, {transform_indices = @transform_5, window_bounds = array<i64: 512, 16>}, {transform_indices = @transform_6, window_bounds = array<i64: 512, 1>}]} {
    %rem3A = arith.constant 2 : i32
    %rem3A_0 = arith.remsi %arg0, %rem3A : i32
    %add3A = arith.constant 1 : i32
    %add3A_1 = arith.addi %arg0, %add3A : i32
    %rem3A_2 = arith.constant 2 : i32
    %rem3A_3 = arith.remsi %add3A_1, %rem3A_2 : i32
    %eq3A = arith.constant 0 : i32
    %eq3A_4 = arith.cmpi eq, %arg0, %eq3A : i32
    %convert_element_type3A = arith.extui %eq3A_4 : i1 to i32
    %cond3A = arith.constant 0 : i32
    %cond3A_5 = arith.cmpi ne, %convert_element_type3A, %cond3A : i32
    scf.if %cond3A_5 {
      %scan3A = arith.constant 0 : i32
      %scan3A_191 = arith.constant 512 : i32
      %scan3A_192 = arith.addi %scan3A, %scan3A_191 : i32
      %scan3A_193 = arith.constant 4 : i32
      scf.for %scan3A_195 = %scan3A to %scan3A_192 step %scan3A_193  : i32 {
        %add3A_196 = arith.constant 0 : i32
        %add3A_197 = arith.addi %add3A_196, %scan3A_195 : i32
        %get3A_198 = arith.index_cast %add3A_197 : i32 to index
        %get3A_199 = memref.load %arg1[%get3A_198] : memref<4096xi32, #tpu.memory_space<smem>>
        %add3A_200 = arith.constant 0 : i32
        %add3A_201 = arith.addi %add3A_200, %scan3A_195 : i32
        %get3A_202 = arith.index_cast %add3A_201 : i32 to index
        %get3A_203 = memref.load %arg2[%get3A_202] : memref<4096xi32, #tpu.memory_space<smem>>
        %dma_start3A = tpu.memref_slice %arg12[%rem3A_0] : memref<2x!tpu.dma_semaphore, #tpu.memory_space<semaphore_mem>> -> memref<1x!tpu.dma_semaphore, #tpu.memory_space<semaphore_mem>>
        %dma_start3A_204 = tpu.memref_squeeze %dma_start3A : memref<1x!tpu.dma_semaphore, #tpu.memory_space<semaphore_mem>> -> memref<!tpu.dma_semaphore, #tpu.memory_space<semaphore_mem>>
        %dma_start3A_205 = arith.constant 0 : i32
        %dma_start3A_206 = tpu.memref_slice %arg10[%rem3A_0, %scan3A_195, %dma_start3A_205] : memref<2x512x300xf32, #tpu.memory_space<vmem>> -> memref<1x1x300xf32, #tpu.memory_space<vmem>>
        %dma_start3A_207 = tpu.memref_squeeze %dma_start3A_206 : memref<1x1x300xf32, #tpu.memory_space<vmem>> -> memref<1x300xf32, #tpu.memory_space<vmem>>
        %dma_start3A_208 = arith.constant 0 : i32
        %dma_start3A_209 = tpu.memref_slice %arg3[%get3A_199, %dma_start3A_208] : memref<100000x300xf32, #tpu.memory_space<hbm>> -> memref<1x300xf32, #tpu.memory_space<hbm>>
        tpu.enqueue_dma source(%dma_start3A_209 : memref<1x300xf32, #tpu.memory_space<hbm>>) target(%dma_start3A_207 : memref<1x300xf32, #tpu.memory_space<vmem>>) target_semaphore(%dma_start3A_204 : memref<!tpu.dma_semaphore, #tpu.memory_space<semaphore_mem>>)
        %dma_start3A_210 = tpu.memref_slice %arg13[%rem3A_0] : memref<2x!tpu.dma_semaphore, #tpu.memory_space<semaphore_mem>> -> memref<1x!tpu.dma_semaphore, #tpu.memory_space<semaphore_mem>>
        %dma_start3A_211 = tpu.memref_squeeze %dma_start3A_210 : memref<1x!tpu.dma_semaphore, #tpu.memory_space<semaphore_mem>> -> memref<!tpu.dma_semaphore, #tpu.memory_space<semaphore_mem>>
        %dma_start3A_212 = arith.constant 0 : i32
        %dma_start3A_213 = tpu.memref_slice %arg11[%rem3A_0, %scan3A_195, %dma_start3A_212] : memref<2x512x300xf32, #tpu.memory_space<vmem>> -> memref<1x1x300xf32, #tpu.memory_space<vmem>>
        %dma_start3A_214 = tpu.memref_squeeze %dma_start3A_213 : memref<1x1x300xf32, #tpu.memory_space<vmem>> -> memref<1x300xf32, #tpu.memory_space<vmem>>
        %dma_start3A_215 = arith.constant 0 : i32
        %dma_start3A_216 = tpu.memref_slice %arg3[%get3A_203, %dma_start3A_215] : memref<100000x300xf32, #tpu.memory_space<hbm>> -> memref<1x300xf32, #tpu.memory_space<hbm>>
        tpu.enqueue_dma source(%dma_start3A_216 : memref<1x300xf32, #tpu.memory_space<hbm>>) target(%dma_start3A_214 : memref<1x300xf32, #tpu.memory_space<vmem>>) target_semaphore(%dma_start3A_211 : memref<!tpu.dma_semaphore, #tpu.memory_space<semaphore_mem>>)
        %scan3A_217 = arith.constant 1 : i32
        %scan3A_218 = arith.addi %scan3A_195, %scan3A_217 : i32
        %add3A_219 = arith.constant 0 : i32
        %add3A_220 = arith.addi %add3A_219, %scan3A_218 : i32
        %get3A_221 = arith.index_cast %add3A_220 : i32 to index
        %get3A_222 = memref.load %arg1[%get3A_221] : memref<4096xi32, #tpu.memory_space<smem>>
        %add3A_223 = arith.constant 0 : i32
        %add3A_224 = arith.addi %add3A_223, %scan3A_218 : i32
        %get3A_225 = arith.index_cast %add3A_224 : i32 to index
        %get3A_226 = memref.load %arg2[%get3A_225] : memref<4096xi32, #tpu.memory_space<smem>>
        %dma_start3A_227 = tpu.memref_slice %arg12[%rem3A_0] : memref<2x!tpu.dma_semaphore, #tpu.memory_space<semaphore_mem>> -> memref<1x!tpu.dma_semaphore, #tpu.memory_space<semaphore_mem>>
        %dma_start3A_228 = tpu.memref_squeeze %dma_start3A_227 : memref<1x!tpu.dma_semaphore, #tpu.memory_space<semaphore_mem>> -> memref<!tpu.dma_semaphore, #tpu.memory_space<semaphore_mem>>
        %dma_start3A_229 = arith.constant 0 : i32
        %dma_start3A_230 = tpu.memref_slice %arg10[%rem3A_0, %scan3A_218, %dma_start3A_229] : memref<2x512x300xf32, #tpu.memory_space<vmem>> -> memref<1x1x300xf32, #tpu.memory_space<vmem>>
        %dma_start3A_231 = tpu.memref_squeeze %dma_start3A_230 : memref<1x1x300xf32, #tpu.memory_space<vmem>> -> memref<1x300xf32, #tpu.memory_space<vmem>>
        %dma_start3A_232 = arith.constant 0 : i32
        %dma_start3A_233 = tpu.memref_slice %arg3[%get3A_222, %dma_start3A_232] : memref<100000x300xf32, #tpu.memory_space<hbm>> -> memref<1x300xf32, #tpu.memory_space<hbm>>
        tpu.enqueue_dma source(%dma_start3A_233 : memref<1x300xf32, #tpu.memory_space<hbm>>) target(%dma_start3A_231 : memref<1x300xf32, #tpu.memory_space<vmem>>) target_semaphore(%dma_start3A_228 : memref<!tpu.dma_semaphore, #tpu.memory_space<semaphore_mem>>)
        %dma_start3A_234 = tpu.memref_slice %arg13[%rem3A_0] : memref<2x!tpu.dma_semaphore, #tpu.memory_space<semaphore_mem>> -> memref<1x!tpu.dma_semaphore, #tpu.memory_space<semaphore_mem>>
        %dma_start3A_235 = tpu.memref_squeeze %dma_start3A_234 : memref<1x!tpu.dma_semaphore, #tpu.memory_space<semaphore_mem>> -> memref<!tpu.dma_semaphore, #tpu.memory_space<semaphore_mem>>
        %dma_start3A_236 = arith.constant 0 : i32
        %dma_start3A_237 = tpu.memref_slice %arg11[%rem3A_0, %scan3A_218, %dma_start3A_236] : memref<2x512x300xf32, #tpu.memory_space<vmem>> -> memref<1x1x300xf32, #tpu.memory_space<vmem>>
        %dma_start3A_238 = tpu.memref_squeeze %dma_start3A_237 : memref<1x1x300xf32, #tpu.memory_space<vmem>> -> memref<1x300xf32, #tpu.memory_space<vmem>>
        %dma_start3A_239 = arith.constant 0 : i32
        %dma_start3A_240 = tpu.memref_slice %arg3[%get3A_226, %dma_start3A_239] : memref<100000x300xf32, #tpu.memory_space<hbm>> -> memref<1x300xf32, #tpu.memory_space<hbm>>
        tpu.enqueue_dma source(%dma_start3A_240 : memref<1x300xf32, #tpu.memory_space<hbm>>) target(%dma_start3A_238 : memref<1x300xf32, #tpu.memory_space<vmem>>) target_semaphore(%dma_start3A_235 : memref<!tpu.dma_semaphore, #tpu.memory_space<semaphore_mem>>)
        %scan3A_241 = arith.constant 2 : i32
        %scan3A_242 = arith.addi %scan3A_195, %scan3A_241 : i32
        %add3A_243 = arith.constant 0 : i32
        %add3A_244 = arith.addi %add3A_243, %scan3A_242 : i32
        %get3A_245 = arith.index_cast %add3A_244 : i32 to index
        %get3A_246 = memref.load %arg1[%get3A_245] : memref<4096xi32, #tpu.memory_space<smem>>
        %add3A_247 = arith.constant 0 : i32
        %add3A_248 = arith.addi %add3A_247, %scan3A_242 : i32
        %get3A_249 = arith.index_cast %add3A_248 : i32 to index
        %get3A_250 = memref.load %arg2[%get3A_249] : memref<4096xi32, #tpu.memory_space<smem>>
        %dma_start3A_251 = tpu.memref_slice %arg12[%rem3A_0] : memref<2x!tpu.dma_semaphore, #tpu.memory_space<semaphore_mem>> -> memref<1x!tpu.dma_semaphore, #tpu.memory_space<semaphore_mem>>
        %dma_start3A_252 = tpu.memref_squeeze %dma_start3A_251 : memref<1x!tpu.dma_semaphore, #tpu.memory_space<semaphore_mem>> -> memref<!tpu.dma_semaphore, #tpu.memory_space<semaphore_mem>>
        %dma_start3A_253 = arith.constant 0 : i32
        %dma_start3A_254 = tpu.memref_slice %arg10[%rem3A_0, %scan3A_242, %dma_start3A_253] : memref<2x512x300xf32, #tpu.memory_space<vmem>> -> memref<1x1x300xf32, #tpu.memory_space<vmem>>
        %dma_start3A_255 = tpu.memref_squeeze %dma_start3A_254 : memref<1x1x300xf32, #tpu.memory_space<vmem>> -> memref<1x300xf32, #tpu.memory_space<vmem>>
        %dma_start3A_256 = arith.constant 0 : i32
        %dma_start3A_257 = tpu.memref_slice %arg3[%get3A_246, %dma_start3A_256] : memref<100000x300xf32, #tpu.memory_space<hbm>> -> memref<1x300xf32, #tpu.memory_space<hbm>>
        tpu.enqueue_dma source(%dma_start3A_257 : memref<1x300xf32, #tpu.memory_space<hbm>>) target(%dma_start3A_255 : memref<1x300xf32, #tpu.memory_space<vmem>>) target_semaphore(%dma_start3A_252 : memref<!tpu.dma_semaphore, #tpu.memory_space<semaphore_mem>>)
        %dma_start3A_258 = tpu.memref_slice %arg13[%rem3A_0] : memref<2x!tpu.dma_semaphore, #tpu.memory_space<semaphore_mem>> -> memref<1x!tpu.dma_semaphore, #tpu.memory_space<semaphore_mem>>
        %dma_start3A_259 = tpu.memref_squeeze %dma_start3A_258 : memref<1x!tpu.dma_semaphore, #tpu.memory_space<semaphore_mem>> -> memref<!tpu.dma_semaphore, #tpu.memory_space<semaphore_mem>>
        %dma_start3A_260 = arith.constant 0 : i32
        %dma_start3A_261 = tpu.memref_slice %arg11[%rem3A_0, %scan3A_242, %dma_start3A_260] : memref<2x512x300xf32, #tpu.memory_space<vmem>> -> memref<1x1x300xf32, #tpu.memory_space<vmem>>
        %dma_start3A_262 = tpu.memref_squeeze %dma_start3A_261 : memref<1x1x300xf32, #tpu.memory_space<vmem>> -> memref<1x300xf32, #tpu.memory_space<vmem>>
        %dma_start3A_263 = arith.constant 0 : i32
        %dma_start3A_264 = tpu.memref_slice %arg3[%get3A_250, %dma_start3A_263] : memref<100000x300xf32, #tpu.memory_space<hbm>> -> memref<1x300xf32, #tpu.memory_space<hbm>>
        tpu.enqueue_dma source(%dma_start3A_264 : memref<1x300xf32, #tpu.memory_space<hbm>>) target(%dma_start3A_262 : memref<1x300xf32, #tpu.memory_space<vmem>>) target_semaphore(%dma_start3A_259 : memref<!tpu.dma_semaphore, #tpu.memory_space<semaphore_mem>>)
        %scan3A_265 = arith.constant 3 : i32
        %scan3A_266 = arith.addi %scan3A_195, %scan3A_265 : i32
        %add3A_267 = arith.constant 0 : i32
        %add3A_268 = arith.addi %add3A_267, %scan3A_266 : i32
        %get3A_269 = arith.index_cast %add3A_268 : i32 to index
        %get3A_270 = memref.load %arg1[%get3A_269] : memref<4096xi32, #tpu.memory_space<smem>>
        %add3A_271 = arith.constant 0 : i32
        %add3A_272 = arith.addi %add3A_271, %scan3A_266 : i32
        %get3A_273 = arith.index_cast %add3A_272 : i32 to index
        %get3A_274 = memref.load %arg2[%get3A_273] : memref<4096xi32, #tpu.memory_space<smem>>
        %dma_start3A_275 = tpu.memref_slice %arg12[%rem3A_0] : memref<2x!tpu.dma_semaphore, #tpu.memory_space<semaphore_mem>> -> memref<1x!tpu.dma_semaphore, #tpu.memory_space<semaphore_mem>>
        %dma_start3A_276 = tpu.memref_squeeze %dma_start3A_275 : memref<1x!tpu.dma_semaphore, #tpu.memory_space<semaphore_mem>> -> memref<!tpu.dma_semaphore, #tpu.memory_space<semaphore_mem>>
        %dma_start3A_277 = arith.constant 0 : i32
        %dma_start3A_278 = tpu.memref_slice %arg10[%rem3A_0, %scan3A_266, %dma_start3A_277] : memref<2x512x300xf32, #tpu.memory_space<vmem>> -> memref<1x1x300xf32, #tpu.memory_space<vmem>>
        %dma_start3A_279 = tpu.memref_squeeze %dma_start3A_278 : memref<1x1x300xf32, #tpu.memory_space<vmem>> -> memref<1x300xf32, #tpu.memory_space<vmem>>
        %dma_start3A_280 = arith.constant 0 : i32
        %dma_start3A_281 = tpu.memref_slice %arg3[%get3A_270, %dma_start3A_280] : memref<100000x300xf32, #tpu.memory_space<hbm>> -> memref<1x300xf32, #tpu.memory_space<hbm>>
        tpu.enqueue_dma source(%dma_start3A_281 : memref<1x300xf32, #tpu.memory_space<hbm>>) target(%dma_start3A_279 : memref<1x300xf32, #tpu.memory_space<vmem>>) target_semaphore(%dma_start3A_276 : memref<!tpu.dma_semaphore, #tpu.memory_space<semaphore_mem>>)
        %dma_start3A_282 = tpu.memref_slice %arg13[%rem3A_0] : memref<2x!tpu.dma_semaphore, #tpu.memory_space<semaphore_mem>> -> memref<1x!tpu.dma_semaphore, #tpu.memory_space<semaphore_mem>>
        %dma_start3A_283 = tpu.memref_squeeze %dma_start3A_282 : memref<1x!tpu.dma_semaphore, #tpu.memory_space<semaphore_mem>> -> memref<!tpu.dma_semaphore, #tpu.memory_space<semaphore_mem>>
        %dma_start3A_284 = arith.constant 0 : i32
        %dma_start3A_285 = tpu.memref_slice %arg11[%rem3A_0, %scan3A_266, %dma_start3A_284] : memref<2x512x300xf32, #tpu.memory_space<vmem>> -> memref<1x1x300xf32, #tpu.memory_space<vmem>>
        %dma_start3A_286 = tpu.memref_squeeze %dma_start3A_285 : memref<1x1x300xf32, #tpu.memory_space<vmem>> -> memref<1x300xf32, #tpu.memory_space<vmem>>
        %dma_start3A_287 = arith.constant 0 : i32
        %dma_start3A_288 = tpu.memref_slice %arg3[%get3A_274, %dma_start3A_287] : memref<100000x300xf32, #tpu.memory_space<hbm>> -> memref<1x300xf32, #tpu.memory_space<hbm>>
        tpu.enqueue_dma source(%dma_start3A_288 : memref<1x300xf32, #tpu.memory_space<hbm>>) target(%dma_start3A_286 : memref<1x300xf32, #tpu.memory_space<vmem>>) target_semaphore(%dma_start3A_283 : memref<!tpu.dma_semaphore, #tpu.memory_space<semaphore_mem>>)
      }
      %scan3A_194 = arith.constant 512 : i32
    } else {
    }
    %add3A_6 = arith.constant 1 : i32
    %add3A_7 = arith.addi %arg0, %add3A_6 : i32
    %lt3A = arith.constant 8 : i32
    %lt3A_8 = arith.cmpi slt, %add3A_7, %lt3A : i32
    %convert_element_type3A_9 = arith.extui %lt3A_8 : i1 to i32
    %cond3A_10 = arith.constant 0 : i32
    %cond3A_11 = arith.cmpi ne, %convert_element_type3A_9, %cond3A_10 : i32
    scf.if %cond3A_11 {
      %add3A_191 = arith.constant 1 : i32
      %add3A_192 = arith.addi %arg0, %add3A_191 : i32
      %scan3A = arith.constant 0 : i32
      %scan3A_193 = arith.constant 512 : i32
      %scan3A_194 = arith.addi %scan3A, %scan3A_193 : i32
      %scan3A_195 = arith.constant 4 : i32
      scf.for %scan3A_197 = %scan3A to %scan3A_194 step %scan3A_195  : i32 {
        %mul3A_198 = arith.constant 512 : i32
        %mul3A_199 = arith.muli %add3A_192, %mul3A_198 : i32
        %add3A_200 = arith.addi %mul3A_199, %scan3A_197 : i32
        %get3A_201 = arith.index_cast %add3A_200 : i32 to index
        %get3A_202 = memref.load %arg1[%get3A_201] : memref<4096xi32, #tpu.memory_space<smem>>
        %mul3A_203 = arith.constant 512 : i32
        %mul3A_204 = arith.muli %add3A_192, %mul3A_203 : i32
        %add3A_205 = arith.addi %mul3A_204, %scan3A_197 : i32
        %get3A_206 = arith.index_cast %add3A_205 : i32 to index
        %get3A_207 = memref.load %arg2[%get3A_206] : memref<4096xi32, #tpu.memory_space<smem>>
        %dma_start3A = tpu.memref_slice %arg12[%rem3A_3] : memref<2x!tpu.dma_semaphore, #tpu.memory_space<semaphore_mem>> -> memref<1x!tpu.dma_semaphore, #tpu.memory_space<semaphore_mem>>
        %dma_start3A_208 = tpu.memref_squeeze %dma_start3A : memref<1x!tpu.dma_semaphore, #tpu.memory_space<semaphore_mem>> -> memref<!tpu.dma_semaphore, #tpu.memory_space<semaphore_mem>>
        %dma_start3A_209 = arith.constant 0 : i32
        %dma_start3A_210 = tpu.memref_slice %arg10[%rem3A_3, %scan3A_197, %dma_start3A_209] : memref<2x512x300xf32, #tpu.memory_space<vmem>> -> memref<1x1x300xf32, #tpu.memory_space<vmem>>
        %dma_start3A_211 = tpu.memref_squeeze %dma_start3A_210 : memref<1x1x300xf32, #tpu.memory_space<vmem>> -> memref<1x300xf32, #tpu.memory_space<vmem>>
        %dma_start3A_212 = arith.constant 0 : i32
        %dma_start3A_213 = tpu.memref_slice %arg3[%get3A_202, %dma_start3A_212] : memref<100000x300xf32, #tpu.memory_space<hbm>> -> memref<1x300xf32, #tpu.memory_space<hbm>>
        tpu.enqueue_dma source(%dma_start3A_213 : memref<1x300xf32, #tpu.memory_space<hbm>>) target(%dma_start3A_211 : memref<1x300xf32, #tpu.memory_space<vmem>>) target_semaphore(%dma_start3A_208 : memref<!tpu.dma_semaphore, #tpu.memory_space<semaphore_mem>>)
        %dma_start3A_214 = tpu.memref_slice %arg13[%rem3A_3] : memref<2x!tpu.dma_semaphore, #tpu.memory_space<semaphore_mem>> -> memref<1x!tpu.dma_semaphore, #tpu.memory_space<semaphore_mem>>
        %dma_start3A_215 = tpu.memref_squeeze %dma_start3A_214 : memref<1x!tpu.dma_semaphore, #tpu.memory_space<semaphore_mem>> -> memref<!tpu.dma_semaphore, #tpu.memory_space<semaphore_mem>>
        %dma_start3A_216 = arith.constant 0 : i32
        %dma_start3A_217 = tpu.memref_slice %arg11[%rem3A_3, %scan3A_197, %dma_start3A_216] : memref<2x512x300xf32, #tpu.memory_space<vmem>> -> memref<1x1x300xf32, #tpu.memory_space<vmem>>
        %dma_start3A_218 = tpu.memref_squeeze %dma_start3A_217 : memref<1x1x300xf32, #tpu.memory_space<vmem>> -> memref<1x300xf32, #tpu.memory_space<vmem>>
        %dma_start3A_219 = arith.constant 0 : i32
        %dma_start3A_220 = tpu.memref_slice %arg3[%get3A_207, %dma_start3A_219] : memref<100000x300xf32, #tpu.memory_space<hbm>> -> memref<1x300xf32, #tpu.memory_space<hbm>>
        tpu.enqueue_dma source(%dma_start3A_220 : memref<1x300xf32, #tpu.memory_space<hbm>>) target(%dma_start3A_218 : memref<1x300xf32, #tpu.memory_space<vmem>>) target_semaphore(%dma_start3A_215 : memref<!tpu.dma_semaphore, #tpu.memory_space<semaphore_mem>>)
        %scan3A_221 = arith.constant 1 : i32
        %scan3A_222 = arith.addi %scan3A_197, %scan3A_221 : i32
        %mul3A_223 = arith.constant 512 : i32
        %mul3A_224 = arith.muli %add3A_192, %mul3A_223 : i32
        %add3A_225 = arith.addi %mul3A_224, %scan3A_222 : i32
        %get3A_226 = arith.index_cast %add3A_225 : i32 to index
        %get3A_227 = memref.load %arg1[%get3A_226] : memref<4096xi32, #tpu.memory_space<smem>>
        %mul3A_228 = arith.constant 512 : i32
        %mul3A_229 = arith.muli %add3A_192, %mul3A_228 : i32
        %add3A_230 = arith.addi %mul3A_229, %scan3A_222 : i32
        %get3A_231 = arith.index_cast %add3A_230 : i32 to index
        %get3A_232 = memref.load %arg2[%get3A_231] : memref<4096xi32, #tpu.memory_space<smem>>
        %dma_start3A_233 = tpu.memref_slice %arg12[%rem3A_3] : memref<2x!tpu.dma_semaphore, #tpu.memory_space<semaphore_mem>> -> memref<1x!tpu.dma_semaphore, #tpu.memory_space<semaphore_mem>>
        %dma_start3A_234 = tpu.memref_squeeze %dma_start3A_233 : memref<1x!tpu.dma_semaphore, #tpu.memory_space<semaphore_mem>> -> memref<!tpu.dma_semaphore, #tpu.memory_space<semaphore_mem>>
        %dma_start3A_235 = arith.constant 0 : i32
        %dma_start3A_236 = tpu.memref_slice %arg10[%rem3A_3, %scan3A_222, %dma_start3A_235] : memref<2x512x300xf32, #tpu.memory_space<vmem>> -> memref<1x1x300xf32, #tpu.memory_space<vmem>>
        %dma_start3A_237 = tpu.memref_squeeze %dma_start3A_236 : memref<1x1x300xf32, #tpu.memory_space<vmem>> -> memref<1x300xf32, #tpu.memory_space<vmem>>
        %dma_start3A_238 = arith.constant 0 : i32
        %dma_start3A_239 = tpu.memref_slice %arg3[%get3A_227, %dma_start3A_238] : memref<100000x300xf32, #tpu.memory_space<hbm>> -> memref<1x300xf32, #tpu.memory_space<hbm>>
        tpu.enqueue_dma source(%dma_start3A_239 : memref<1x300xf32, #tpu.memory_space<hbm>>) target(%dma_start3A_237 : memref<1x300xf32, #tpu.memory_space<vmem>>) target_semaphore(%dma_start3A_234 : memref<!tpu.dma_semaphore, #tpu.memory_space<semaphore_mem>>)
        %dma_start3A_240 = tpu.memref_slice %arg13[%rem3A_3] : memref<2x!tpu.dma_semaphore, #tpu.memory_space<semaphore_mem>> -> memref<1x!tpu.dma_semaphore, #tpu.memory_space<semaphore_mem>>
        %dma_start3A_241 = tpu.memref_squeeze %dma_start3A_240 : memref<1x!tpu.dma_semaphore, #tpu.memory_space<semaphore_mem>> -> memref<!tpu.dma_semaphore, #tpu.memory_space<semaphore_mem>>
        %dma_start3A_242 = arith.constant 0 : i32
        %dma_start3A_243 = tpu.memref_slice %arg11[%rem3A_3, %scan3A_222, %dma_start3A_242] : memref<2x512x300xf32, #tpu.memory_space<vmem>> -> memref<1x1x300xf32, #tpu.memory_space<vmem>>
        %dma_start3A_244 = tpu.memref_squeeze %dma_start3A_243 : memref<1x1x300xf32, #tpu.memory_space<vmem>> -> memref<1x300xf32, #tpu.memory_space<vmem>>
        %dma_start3A_245 = arith.constant 0 : i32
        %dma_start3A_246 = tpu.memref_slice %arg3[%get3A_232, %dma_start3A_245] : memref<100000x300xf32, #tpu.memory_space<hbm>> -> memref<1x300xf32, #tpu.memory_space<hbm>>
        tpu.enqueue_dma source(%dma_start3A_246 : memref<1x300xf32, #tpu.memory_space<hbm>>) target(%dma_start3A_244 : memref<1x300xf32, #tpu.memory_space<vmem>>) target_semaphore(%dma_start3A_241 : memref<!tpu.dma_semaphore, #tpu.memory_space<semaphore_mem>>)
        %scan3A_247 = arith.constant 2 : i32
        %scan3A_248 = arith.addi %scan3A_197, %scan3A_247 : i32
        %mul3A_249 = arith.constant 512 : i32
        %mul3A_250 = arith.muli %add3A_192, %mul3A_249 : i32
        %add3A_251 = arith.addi %mul3A_250, %scan3A_248 : i32
        %get3A_252 = arith.index_cast %add3A_251 : i32 to index
        %get3A_253 = memref.load %arg1[%get3A_252] : memref<4096xi32, #tpu.memory_space<smem>>
        %mul3A_254 = arith.constant 512 : i32
        %mul3A_255 = arith.muli %add3A_192, %mul3A_254 : i32
        %add3A_256 = arith.addi %mul3A_255, %scan3A_248 : i32
        %get3A_257 = arith.index_cast %add3A_256 : i32 to index
        %get3A_258 = memref.load %arg2[%get3A_257] : memref<4096xi32, #tpu.memory_space<smem>>
        %dma_start3A_259 = tpu.memref_slice %arg12[%rem3A_3] : memref<2x!tpu.dma_semaphore, #tpu.memory_space<semaphore_mem>> -> memref<1x!tpu.dma_semaphore, #tpu.memory_space<semaphore_mem>>
        %dma_start3A_260 = tpu.memref_squeeze %dma_start3A_259 : memref<1x!tpu.dma_semaphore, #tpu.memory_space<semaphore_mem>> -> memref<!tpu.dma_semaphore, #tpu.memory_space<semaphore_mem>>
        %dma_start3A_261 = arith.constant 0 : i32
        %dma_start3A_262 = tpu.memref_slice %arg10[%rem3A_3, %scan3A_248, %dma_start3A_261] : memref<2x512x300xf32, #tpu.memory_space<vmem>> -> memref<1x1x300xf32, #tpu.memory_space<vmem>>
        %dma_start3A_263 = tpu.memref_squeeze %dma_start3A_262 : memref<1x1x300xf32, #tpu.memory_space<vmem>> -> memref<1x300xf32, #tpu.memory_space<vmem>>
        %dma_start3A_264 = arith.constant 0 : i32
        %dma_start3A_265 = tpu.memref_slice %arg3[%get3A_253, %dma_start3A_264] : memref<100000x300xf32, #tpu.memory_space<hbm>> -> memref<1x300xf32, #tpu.memory_space<hbm>>
        tpu.enqueue_dma source(%dma_start3A_265 : memref<1x300xf32, #tpu.memory_space<hbm>>) target(%dma_start3A_263 : memref<1x300xf32, #tpu.memory_space<vmem>>) target_semaphore(%dma_start3A_260 : memref<!tpu.dma_semaphore, #tpu.memory_space<semaphore_mem>>)
        %dma_start3A_266 = tpu.memref_slice %arg13[%rem3A_3] : memref<2x!tpu.dma_semaphore, #tpu.memory_space<semaphore_mem>> -> memref<1x!tpu.dma_semaphore, #tpu.memory_space<semaphore_mem>>
        %dma_start3A_267 = tpu.memref_squeeze %dma_start3A_266 : memref<1x!tpu.dma_semaphore, #tpu.memory_space<semaphore_mem>> -> memref<!tpu.dma_semaphore, #tpu.memory_space<semaphore_mem>>
        %dma_start3A_268 = arith.constant 0 : i32
        %dma_start3A_269 = tpu.memref_slice %arg11[%rem3A_3, %scan3A_248, %dma_start3A_268] : memref<2x512x300xf32, #tpu.memory_space<vmem>> -> memref<1x1x300xf32, #tpu.memory_space<vmem>>
        %dma_start3A_270 = tpu.memref_squeeze %dma_start3A_269 : memref<1x1x300xf32, #tpu.memory_space<vmem>> -> memref<1x300xf32, #tpu.memory_space<vmem>>
        %dma_start3A_271 = arith.constant 0 : i32
        %dma_start3A_272 = tpu.memref_slice %arg3[%get3A_258, %dma_start3A_271] : memref<100000x300xf32, #tpu.memory_space<hbm>> -> memref<1x300xf32, #tpu.memory_space<hbm>>
        tpu.enqueue_dma source(%dma_start3A_272 : memref<1x300xf32, #tpu.memory_space<hbm>>) target(%dma_start3A_270 : memref<1x300xf32, #tpu.memory_space<vmem>>) target_semaphore(%dma_start3A_267 : memref<!tpu.dma_semaphore, #tpu.memory_space<semaphore_mem>>)
        %scan3A_273 = arith.constant 3 : i32
        %scan3A_274 = arith.addi %scan3A_197, %scan3A_273 : i32
        %mul3A_275 = arith.constant 512 : i32
        %mul3A_276 = arith.muli %add3A_192, %mul3A_275 : i32
        %add3A_277 = arith.addi %mul3A_276, %scan3A_274 : i32
        %get3A_278 = arith.index_cast %add3A_277 : i32 to index
        %get3A_279 = memref.load %arg1[%get3A_278] : memref<4096xi32, #tpu.memory_space<smem>>
        %mul3A_280 = arith.constant 512 : i32
        %mul3A_281 = arith.muli %add3A_192, %mul3A_280 : i32
        %add3A_282 = arith.addi %mul3A_281, %scan3A_274 : i32
        %get3A_283 = arith.index_cast %add3A_282 : i32 to index
        %get3A_284 = memref.load %arg2[%get3A_283] : memref<4096xi32, #tpu.memory_space<smem>>
        %dma_start3A_285 = tpu.memref_slice %arg12[%rem3A_3] : memref<2x!tpu.dma_semaphore, #tpu.memory_space<semaphore_mem>> -> memref<1x!tpu.dma_semaphore, #tpu.memory_space<semaphore_mem>>
        %dma_start3A_286 = tpu.memref_squeeze %dma_start3A_285 : memref<1x!tpu.dma_semaphore, #tpu.memory_space<semaphore_mem>> -> memref<!tpu.dma_semaphore, #tpu.memory_space<semaphore_mem>>
        %dma_start3A_287 = arith.constant 0 : i32
        %dma_start3A_288 = tpu.memref_slice %arg10[%rem3A_3, %scan3A_274, %dma_start3A_287] : memref<2x512x300xf32, #tpu.memory_space<vmem>> -> memref<1x1x300xf32, #tpu.memory_space<vmem>>
        %dma_start3A_289 = tpu.memref_squeeze %dma_start3A_288 : memref<1x1x300xf32, #tpu.memory_space<vmem>> -> memref<1x300xf32, #tpu.memory_space<vmem>>
        %dma_start3A_290 = arith.constant 0 : i32
        %dma_start3A_291 = tpu.memref_slice %arg3[%get3A_279, %dma_start3A_290] : memref<100000x300xf32, #tpu.memory_space<hbm>> -> memref<1x300xf32, #tpu.memory_space<hbm>>
        tpu.enqueue_dma source(%dma_start3A_291 : memref<1x300xf32, #tpu.memory_space<hbm>>) target(%dma_start3A_289 : memref<1x300xf32, #tpu.memory_space<vmem>>) target_semaphore(%dma_start3A_286 : memref<!tpu.dma_semaphore, #tpu.memory_space<semaphore_mem>>)
        %dma_start3A_292 = tpu.memref_slice %arg13[%rem3A_3] : memref<2x!tpu.dma_semaphore, #tpu.memory_space<semaphore_mem>> -> memref<1x!tpu.dma_semaphore, #tpu.memory_space<semaphore_mem>>
        %dma_start3A_293 = tpu.memref_squeeze %dma_start3A_292 : memref<1x!tpu.dma_semaphore, #tpu.memory_space<semaphore_mem>> -> memref<!tpu.dma_semaphore, #tpu.memory_space<semaphore_mem>>
        %dma_start3A_294 = arith.constant 0 : i32
        %dma_start3A_295 = tpu.memref_slice %arg11[%rem3A_3, %scan3A_274, %dma_start3A_294] : memref<2x512x300xf32, #tpu.memory_space<vmem>> -> memref<1x1x300xf32, #tpu.memory_space<vmem>>
        %dma_start3A_296 = tpu.memref_squeeze %dma_start3A_295 : memref<1x1x300xf32, #tpu.memory_space<vmem>> -> memref<1x300xf32, #tpu.memory_space<vmem>>
        %dma_start3A_297 = arith.constant 0 : i32
        %dma_start3A_298 = tpu.memref_slice %arg3[%get3A_284, %dma_start3A_297] : memref<100000x300xf32, #tpu.memory_space<hbm>> -> memref<1x300xf32, #tpu.memory_space<hbm>>
        tpu.enqueue_dma source(%dma_start3A_298 : memref<1x300xf32, #tpu.memory_space<hbm>>) target(%dma_start3A_296 : memref<1x300xf32, #tpu.memory_space<vmem>>) target_semaphore(%dma_start3A_293 : memref<!tpu.dma_semaphore, #tpu.memory_space<semaphore_mem>>)
      }
      %scan3A_196 = arith.constant 512 : i32
    } else {
    }
    %dma_wait3A = tpu.memref_slice %arg12[%rem3A_0] : memref<2x!tpu.dma_semaphore, #tpu.memory_space<semaphore_mem>> -> memref<1x!tpu.dma_semaphore, #tpu.memory_space<semaphore_mem>>
    %dma_wait3A_12 = tpu.memref_squeeze %dma_wait3A : memref<1x!tpu.dma_semaphore, #tpu.memory_space<semaphore_mem>> -> memref<!tpu.dma_semaphore, #tpu.memory_space<semaphore_mem>>
    %dma_wait3A_13 = arith.constant 0 : i32
    %dma_wait3A_14 = arith.constant 0 : i32
    %dma_wait3A_15 = tpu.memref_slice %arg10[%rem3A_0, %dma_wait3A_13, %dma_wait3A_14] : memref<2x512x300xf32, #tpu.memory_space<vmem>> -> memref<1x512x300xf32, #tpu.memory_space<vmem>>
    %dma_wait3A_16 = tpu.memref_squeeze %dma_wait3A_15 : memref<1x512x300xf32, #tpu.memory_space<vmem>> -> memref<512x300xf32, #tpu.memory_space<vmem>>
    %dma_wait3A_17 = arith.constant 0 : i32
    %dma_wait3A_18 = arith.constant 0 : i32
    %dma_wait3A_19 = tpu.memref_slice %arg3[%dma_wait3A_17, %dma_wait3A_18] : memref<100000x300xf32, #tpu.memory_space<hbm>> -> memref<512x300xf32, #tpu.memory_space<hbm>>
    tpu.wait_dma2 semaphore(%dma_wait3A_12 : memref<!tpu.dma_semaphore, #tpu.memory_space<semaphore_mem>>) src(%dma_wait3A_19 : memref<512x300xf32, #tpu.memory_space<hbm>>) dst(%dma_wait3A_16 : memref<512x300xf32, #tpu.memory_space<vmem>>)
    %dma_wait3A_20 = tpu.memref_slice %arg13[%rem3A_0] : memref<2x!tpu.dma_semaphore, #tpu.memory_space<semaphore_mem>> -> memref<1x!tpu.dma_semaphore, #tpu.memory_space<semaphore_mem>>
    %dma_wait3A_21 = tpu.memref_squeeze %dma_wait3A_20 : memref<1x!tpu.dma_semaphore, #tpu.memory_space<semaphore_mem>> -> memref<!tpu.dma_semaphore, #tpu.memory_space<semaphore_mem>>
    %dma_wait3A_22 = arith.constant 0 : i32
    %dma_wait3A_23 = arith.constant 0 : i32
    %dma_wait3A_24 = tpu.memref_slice %arg11[%rem3A_0, %dma_wait3A_22, %dma_wait3A_23] : memref<2x512x300xf32, #tpu.memory_space<vmem>> -> memref<1x512x300xf32, #tpu.memory_space<vmem>>
    %dma_wait3A_25 = tpu.memref_squeeze %dma_wait3A_24 : memref<1x512x300xf32, #tpu.memory_space<vmem>> -> memref<512x300xf32, #tpu.memory_space<vmem>>
    %dma_wait3A_26 = arith.constant 0 : i32
    %dma_wait3A_27 = arith.constant 0 : i32
    %dma_wait3A_28 = tpu.memref_slice %arg3[%dma_wait3A_26, %dma_wait3A_27] : memref<100000x300xf32, #tpu.memory_space<hbm>> -> memref<512x300xf32, #tpu.memory_space<hbm>>
    tpu.wait_dma2 semaphore(%dma_wait3A_21 : memref<!tpu.dma_semaphore, #tpu.memory_space<semaphore_mem>>) src(%dma_wait3A_28 : memref<512x300xf32, #tpu.memory_space<hbm>>) dst(%dma_wait3A_25 : memref<512x300xf32, #tpu.memory_space<vmem>>)
    %get3A = arith.index_cast %rem3A_0 : i32 to index
    %get3A_29 = arith.constant 0 : index
    %get3A_30 = arith.constant 0 : index
    %get3A_31 = vector.load %arg10[%get3A, %get3A_29, %get3A_30] : memref<2x512x300xf32, #tpu.memory_space<vmem>>, vector<1x512x300xf32>
    %get3A_32 = vector.shape_cast %get3A_31 : vector<1x512x300xf32> to vector<512x300xf32>
    %convert_element_type3A_33 = arith.truncf %get3A_32 : vector<512x300xf32> to vector<512x300xbf16>
    %get3A_34 = arith.constant 0 : index
    %get3A_35 = arith.constant 0 : index
    %get3A_36 = vector.load %arg7[%get3A_34, %get3A_35] : memref<300x3840xbf16, #tpu.memory_space<vmem>>, vector<300x3840xbf16>
    %dot_general3A = arith.constant dense<0.000000e+00> : vector<512x3840xf32>
    %dot_general3A_37 = tpu.matmul %convert_element_type3A_33, %get3A_36, %dot_general3A {dimension_numbers = #tpu.dot_dimension_numbers<[1], [0], [0], [1], [0, 0, 1, 1], [], []>, transpose_lhs_hint = false} : vector<512x300xbf16>, vector<300x3840xbf16>, vector<512x3840xf32> -> vector<512x3840xf32>
    %get3A_38 = arith.index_cast %rem3A_0 : i32 to index
    %get3A_39 = arith.constant 0 : index
    %get3A_40 = arith.constant 0 : index
    %get3A_41 = vector.load %arg11[%get3A_38, %get3A_39, %get3A_40] : memref<2x512x300xf32, #tpu.memory_space<vmem>>, vector<1x512x300xf32>
    %get3A_42 = vector.shape_cast %get3A_41 : vector<1x512x300xf32> to vector<512x300xf32>
    %broadcast_in_dim3A = arith.constant 0.000000e+00 : f32
    %broadcast_in_dim3A_43 = vector.broadcast %broadcast_in_dim3A : f32 to vector<512x1xf32>
    %slice3A = vector.extract_strided_slice %dot_general3A_37 {offsets = [0, 0], sizes = [512, 300], strides = [1, 1]} : vector<512x3840xf32> to vector<512x300xf32>
    %mul3A = arith.mulf %slice3A, %get3A_42 : vector<512x300xf32>
    %reduce_sum3A = arith.constant dense<0.000000e+00> : vector<512xf32>
    %reduce_sum3A_44 = vector.multi_reduction <add>, %mul3A, %reduce_sum3A [1] : vector<512x300xf32> to vector<512xf32>
    %broadcast_in_dim3A_45 = vector.shape_cast %reduce_sum3A_44 : vector<512xf32> to vector<512x1xf32>
    %get3A_46 = arith.constant 0 : index
    %get3A_47 = memref.load %arg4[%get3A_46] : memref<10xf32, #tpu.memory_space<smem>>
    %add3A_48 = vector.broadcast %get3A_47 : f32 to vector<512x1xf32>
    %add3A_49 = arith.addf %broadcast_in_dim3A_45, %add3A_48 : vector<512x1xf32>
    %get3A_50 = arith.constant 0 : index
    %get3A_51 = arith.constant 0 : index
    %get3A_52 = vector.load %arg8[%get3A_50, %get3A_51] : memref<512x16xf32, #tpu.memory_space<vmem>>, vector<512x1xf32>
    %mul3A_53 = arith.mulf %add3A_49, %get3A_52 : vector<512x1xf32>
    %add3A_54 = arith.addf %broadcast_in_dim3A_43, %mul3A_53 : vector<512x1xf32>
    %slice3A_55 = vector.extract_strided_slice %dot_general3A_37 {offsets = [0, 384], sizes = [512, 300], strides = [1, 1]} : vector<512x3840xf32> to vector<512x300xf32>
    %mul3A_56 = arith.mulf %slice3A_55, %get3A_42 : vector<512x300xf32>
    %reduce_sum3A_57 = arith.constant dense<0.000000e+00> : vector<512xf32>
    %reduce_sum3A_58 = vector.multi_reduction <add>, %mul3A_56, %reduce_sum3A_57 [1] : vector<512x300xf32> to vector<512xf32>
    %broadcast_in_dim3A_59 = vector.shape_cast %reduce_sum3A_58 : vector<512xf32> to vector<512x1xf32>
    %get3A_60 = arith.constant 1 : index
    %get3A_61 = memref.load %arg4[%get3A_60] : memref<10xf32, #tpu.memory_space<smem>>
    %add3A_62 = vector.broadcast %get3A_61 : f32 to vector<512x1xf32>
    %add3A_63 = arith.addf %broadcast_in_dim3A_59, %add3A_62 : vector<512x1xf32>
    %get3A_64 = arith.constant 0 : index
    %get3A_65 = arith.constant 1 : index
    %get3A_66 = vector.load %arg8[%get3A_64, %get3A_65] : memref<512x16xf32, #tpu.memory_space<vmem>>, vector<512x1xf32>
    %mul3A_67 = arith.mulf %add3A_63, %get3A_66 : vector<512x1xf32>
    %add3A_68 = arith.addf %add3A_54, %mul3A_67 : vector<512x1xf32>
    %slice3A_69 = vector.extract_strided_slice %dot_general3A_37 {offsets = [0, 768], sizes = [512, 300], strides = [1, 1]} : vector<512x3840xf32> to vector<512x300xf32>
    %mul3A_70 = arith.mulf %slice3A_69, %get3A_42 : vector<512x300xf32>
    %reduce_sum3A_71 = arith.constant dense<0.000000e+00> : vector<512xf32>
    %reduce_sum3A_72 = vector.multi_reduction <add>, %mul3A_70, %reduce_sum3A_71 [1] : vector<512x300xf32> to vector<512xf32>
    %broadcast_in_dim3A_73 = vector.shape_cast %reduce_sum3A_72 : vector<512xf32> to vector<512x1xf32>
    %get3A_74 = arith.constant 2 : index
    %get3A_75 = memref.load %arg4[%get3A_74] : memref<10xf32, #tpu.memory_space<smem>>
    %add3A_76 = vector.broadcast %get3A_75 : f32 to vector<512x1xf32>
    %add3A_77 = arith.addf %broadcast_in_dim3A_73, %add3A_76 : vector<512x1xf32>
    %get3A_78 = arith.constant 0 : index
    %get3A_79 = arith.constant 2 : index
    %get3A_80 = vector.load %arg8[%get3A_78, %get3A_79] : memref<512x16xf32, #tpu.memory_space<vmem>>, vector<512x1xf32>
    %mul3A_81 = arith.mulf %add3A_77, %get3A_80 : vector<512x1xf32>
    %add3A_82 = arith.addf %add3A_68, %mul3A_81 : vector<512x1xf32>
    %slice3A_83 = vector.extract_strided_slice %dot_general3A_37 {offsets = [0, 1152], sizes = [512, 300], strides = [1, 1]} : vector<512x3840xf32> to vector<512x300xf32>
    %mul3A_84 = arith.mulf %slice3A_83, %get3A_42 : vector<512x300xf32>
    %reduce_sum3A_85 = arith.constant dense<0.000000e+00> : vector<512xf32>
    %reduce_sum3A_86 = vector.multi_reduction <add>, %mul3A_84, %reduce_sum3A_85 [1] : vector<512x300xf32> to vector<512xf32>
    %broadcast_in_dim3A_87 = vector.shape_cast %reduce_sum3A_86 : vector<512xf32> to vector<512x1xf32>
    %get3A_88 = arith.constant 3 : index
    %get3A_89 = memref.load %arg4[%get3A_88] : memref<10xf32, #tpu.memory_space<smem>>
    %add3A_90 = vector.broadcast %get3A_89 : f32 to vector<512x1xf32>
    %add3A_91 = arith.addf %broadcast_in_dim3A_87, %add3A_90 : vector<512x1xf32>
    %get3A_92 = arith.constant 0 : index
    %get3A_93 = arith.constant 3 : index
    %get3A_94 = vector.load %arg8[%get3A_92, %get3A_93] : memref<512x16xf32, #tpu.memory_space<vmem>>, vector<512x1xf32>
    %mul3A_95 = arith.mulf %add3A_91, %get3A_94 : vector<512x1xf32>
    %add3A_96 = arith.addf %add3A_82, %mul3A_95 : vector<512x1xf32>
    %slice3A_97 = vector.extract_strided_slice %dot_general3A_37 {offsets = [0, 1536], sizes = [512, 300], strides = [1, 1]} : vector<512x3840xf32> to vector<512x300xf32>
    %mul3A_98 = arith.mulf %slice3A_97, %get3A_42 : vector<512x300xf32>
    %reduce_sum3A_99 = arith.constant dense<0.000000e+00> : vector<512xf32>
    %reduce_sum3A_100 = vector.multi_reduction <add>, %mul3A_98, %reduce_sum3A_99 [1] : vector<512x300xf32> to vector<512xf32>
    %broadcast_in_dim3A_101 = vector.shape_cast %reduce_sum3A_100 : vector<512xf32> to vector<512x1xf32>
    %get3A_102 = arith.constant 4 : index
    %get3A_103 = memref.load %arg4[%get3A_102] : memref<10xf32, #tpu.memory_space<smem>>
    %add3A_104 = vector.broadcast %get3A_103 : f32 to vector<512x1xf32>
    %add3A_105 = arith.addf %broadcast_in_dim3A_101, %add3A_104 : vector<512x1xf32>
    %get3A_106 = arith.constant 0 : index
    %get3A_107 = arith.constant 4 : index
    %get3A_108 = vector.load %arg8[%get3A_106, %get3A_107] : memref<512x16xf32, #tpu.memory_space<vmem>>, vector<512x1xf32>
    %mul3A_109 = arith.mulf %add3A_105, %get3A_108 : vector<512x1xf32>
    %add3A_110 = arith.addf %add3A_96, %mul3A_109 : vector<512x1xf32>
    %slice3A_111 = vector.extract_strided_slice %dot_general3A_37 {offsets = [0, 1920], sizes = [512, 300], strides = [1, 1]} : vector<512x3840xf32> to vector<512x300xf32>
    %mul3A_112 = arith.mulf %slice3A_111, %get3A_42 : vector<512x300xf32>
    %reduce_sum3A_113 = arith.constant dense<0.000000e+00> : vector<512xf32>
    %reduce_sum3A_114 = vector.multi_reduction <add>, %mul3A_112, %reduce_sum3A_113 [1] : vector<512x300xf32> to vector<512xf32>
    %broadcast_in_dim3A_115 = vector.shape_cast %reduce_sum3A_114 : vector<512xf32> to vector<512x1xf32>
    %get3A_116 = arith.constant 5 : index
    %get3A_117 = memref.load %arg4[%get3A_116] : memref<10xf32, #tpu.memory_space<smem>>
    %add3A_118 = vector.broadcast %get3A_117 : f32 to vector<512x1xf32>
    %add3A_119 = arith.addf %broadcast_in_dim3A_115, %add3A_118 : vector<512x1xf32>
    %get3A_120 = arith.constant 0 : index
    %get3A_121 = arith.constant 5 : index
    %get3A_122 = vector.load %arg8[%get3A_120, %get3A_121] : memref<512x16xf32, #tpu.memory_space<vmem>>, vector<512x1xf32>
    %mul3A_123 = arith.mulf %add3A_119, %get3A_122 : vector<512x1xf32>
    %add3A_124 = arith.addf %add3A_110, %mul3A_123 : vector<512x1xf32>
    %slice3A_125 = vector.extract_strided_slice %dot_general3A_37 {offsets = [0, 2304], sizes = [512, 300], strides = [1, 1]} : vector<512x3840xf32> to vector<512x300xf32>
    %mul3A_126 = arith.mulf %slice3A_125, %get3A_42 : vector<512x300xf32>
    %reduce_sum3A_127 = arith.constant dense<0.000000e+00> : vector<512xf32>
    %reduce_sum3A_128 = vector.multi_reduction <add>, %mul3A_126, %reduce_sum3A_127 [1] : vector<512x300xf32> to vector<512xf32>
    %broadcast_in_dim3A_129 = vector.shape_cast %reduce_sum3A_128 : vector<512xf32> to vector<512x1xf32>
    %get3A_130 = arith.constant 6 : index
    %get3A_131 = memref.load %arg4[%get3A_130] : memref<10xf32, #tpu.memory_space<smem>>
    %add3A_132 = vector.broadcast %get3A_131 : f32 to vector<512x1xf32>
    %add3A_133 = arith.addf %broadcast_in_dim3A_129, %add3A_132 : vector<512x1xf32>
    %get3A_134 = arith.constant 0 : index
    %get3A_135 = arith.constant 6 : index
    %get3A_136 = vector.load %arg8[%get3A_134, %get3A_135] : memref<512x16xf32, #tpu.memory_space<vmem>>, vector<512x1xf32>
    %mul3A_137 = arith.mulf %add3A_133, %get3A_136 : vector<512x1xf32>
    %add3A_138 = arith.addf %add3A_124, %mul3A_137 : vector<512x1xf32>
    %slice3A_139 = vector.extract_strided_slice %dot_general3A_37 {offsets = [0, 2688], sizes = [512, 300], strides = [1, 1]} : vector<512x3840xf32> to vector<512x300xf32>
    %mul3A_140 = arith.mulf %slice3A_139, %get3A_42 : vector<512x300xf32>
    %reduce_sum3A_141 = arith.constant dense<0.000000e+00> : vector<512xf32>
    %reduce_sum3A_142 = vector.multi_reduction <add>, %mul3A_140, %reduce_sum3A_141 [1] : vector<512x300xf32> to vector<512xf32>
    %broadcast_in_dim3A_143 = vector.shape_cast %reduce_sum3A_142 : vector<512xf32> to vector<512x1xf32>
    %get3A_144 = arith.constant 7 : index
    %get3A_145 = memref.load %arg4[%get3A_144] : memref<10xf32, #tpu.memory_space<smem>>
    %add3A_146 = vector.broadcast %get3A_145 : f32 to vector<512x1xf32>
    %add3A_147 = arith.addf %broadcast_in_dim3A_143, %add3A_146 : vector<512x1xf32>
    %get3A_148 = arith.constant 0 : index
    %get3A_149 = arith.constant 7 : index
    %get3A_150 = vector.load %arg8[%get3A_148, %get3A_149] : memref<512x16xf32, #tpu.memory_space<vmem>>, vector<512x1xf32>
    %mul3A_151 = arith.mulf %add3A_147, %get3A_150 : vector<512x1xf32>
    %add3A_152 = arith.addf %add3A_138, %mul3A_151 : vector<512x1xf32>
    %slice3A_153 = vector.extract_strided_slice %dot_general3A_37 {offsets = [0, 3072], sizes = [512, 300], strides = [1, 1]} : vector<512x3840xf32> to vector<512x300xf32>
    %mul3A_154 = arith.mulf %slice3A_153, %get3A_42 : vector<512x300xf32>
    %reduce_sum3A_155 = arith.constant dense<0.000000e+00> : vector<512xf32>
    %reduce_sum3A_156 = vector.multi_reduction <add>, %mul3A_154, %reduce_sum3A_155 [1] : vector<512x300xf32> to vector<512xf32>
    %broadcast_in_dim3A_157 = vector.shape_cast %reduce_sum3A_156 : vector<512xf32> to vector<512x1xf32>
    %get3A_158 = arith.constant 8 : index
    %get3A_159 = memref.load %arg4[%get3A_158] : memref<10xf32, #tpu.memory_space<smem>>
    %add3A_160 = vector.broadcast %get3A_159 : f32 to vector<512x1xf32>
    %add3A_161 = arith.addf %broadcast_in_dim3A_157, %add3A_160 : vector<512x1xf32>
    %get3A_162 = arith.constant 0 : index
    %get3A_163 = arith.constant 8 : index
    %get3A_164 = vector.load %arg8[%get3A_162, %get3A_163] : memref<512x16xf32, #tpu.memory_space<vmem>>, vector<512x1xf32>
    %mul3A_165 = arith.mulf %add3A_161, %get3A_164 : vector<512x1xf32>
    %add3A_166 = arith.addf %add3A_152, %mul3A_165 : vector<512x1xf32>
    %slice3A_167 = vector.extract_strided_slice %dot_general3A_37 {offsets = [0, 3456], sizes = [512, 300], strides = [1, 1]} : vector<512x3840xf32> to vector<512x300xf32>
    %mul3A_168 = arith.mulf %slice3A_167, %get3A_42 : vector<512x300xf32>
    %reduce_sum3A_169 = arith.constant dense<0.000000e+00> : vector<512xf32>
    %reduce_sum3A_170 = vector.multi_reduction <add>, %mul3A_168, %reduce_sum3A_169 [1] : vector<512x300xf32> to vector<512xf32>
    %broadcast_in_dim3A_171 = vector.shape_cast %reduce_sum3A_170 : vector<512xf32> to vector<512x1xf32>
    %get3A_172 = arith.constant 9 : index
    %get3A_173 = memref.load %arg4[%get3A_172] : memref<10xf32, #tpu.memory_space<smem>>
    %add3A_174 = vector.broadcast %get3A_173 : f32 to vector<512x1xf32>
    %add3A_175 = arith.addf %broadcast_in_dim3A_171, %add3A_174 : vector<512x1xf32>
    %get3A_176 = arith.constant 0 : index
    %get3A_177 = arith.constant 9 : index
    %get3A_178 = vector.load %arg8[%get3A_176, %get3A_177] : memref<512x16xf32, #tpu.memory_space<vmem>>, vector<512x1xf32>
    %mul3A_179 = arith.mulf %add3A_175, %get3A_178 : vector<512x1xf32>
    %add3A_180 = arith.addf %add3A_166, %mul3A_179 : vector<512x1xf32>
    %get3A_181 = arith.constant 0 : index
    %get3A_182 = memref.load %arg5[%get3A_181] : memref<1xf32, #tpu.memory_space<smem>>
    %mul3A_183 = vector.broadcast %get3A_182 : f32 to vector<512x1xf32>
    %mul3A_184 = arith.mulf %add3A_180, %mul3A_183 : vector<512x1xf32>
    %get3A_185 = arith.constant 0 : index
    %get3A_186 = memref.load %arg6[%get3A_185] : memref<1xf32, #tpu.memory_space<smem>>
    %add3A_187 = vector.broadcast %get3A_186 : f32 to vector<512x1xf32>
    %add3A_188 = arith.addf %mul3A_184, %add3A_187 : vector<512x1xf32>
    %swap3A = arith.constant 0 : index
    %swap3A_189 = arith.constant 0 : index
    %swap3A_190 = vector.load %arg9[%swap3A, %swap3A_189] : memref<512x1xf32, #tpu.memory_space<vmem>>, vector<512x1xf32>
    tpu.vector_store %arg9[%swap3A, %swap3A_189], %add3A_188 {strides = array<i32>} : memref<512x1xf32, #tpu.memory_space<vmem>>, vector<512x1xf32>,
    return
  }
  func.func @transform_1(%arg0: i32, %arg1: memref<4096xi32, #tpu.memory_space<smem>>, %arg2: memref<4096xi32, #tpu.memory_space<smem>>) -> i32 {
    %c0_i32 = arith.constant 0 : i32
    %c0_i32_0 = arith.constant 0 : i32
    return %c0_i32 : i32
  }
  func.func @transform_2(%arg0: i32, %arg1: memref<4096xi32, #tpu.memory_space<smem>>, %arg2: memref<4096xi32, #tpu.memory_space<smem>>) -> i32 {
    %c0_i32 = arith.constant 0 : i32
    %c0_i32_0 = arith.constant 0 : i32
    return %c0_i32 : i32
  }
  func.func @transform_3(%arg0: i32, %arg1: memref<4096xi32, #tpu.memory_space<smem>>, %arg2: memref<4096xi32, #tpu.memory_space<smem>>) -> i32 {
    %c0_i32 = arith.constant 0 : i32
    %c0_i32_0 = arith.constant 0 : i32
    return %c0_i32 : i32
  }
  func.func @transform_4(%arg0: i32, %arg1: memref<4096xi32, #tpu.memory_space<smem>>, %arg2: memref<4096xi32, #tpu.memory_space<smem>>) -> (i32, i32) {
    %c0_i32 = arith.constant 0 : i32
    %c0_i32_0 = arith.constant 0 : i32
    %c0_i32_1 = arith.constant 0 : i32
    return %c0_i32, %c0_i32_0 : i32, i32
  }
  func.func @transform_5(%arg0: i32, %arg1: memref<4096xi32, #tpu.memory_space<smem>>, %arg2: memref<4096xi32, #tpu.memory_space<smem>>) -> (i32, i32) {
    %c0_i32 = arith.constant 0 : i32
    %c0_i32_0 = arith.constant 0 : i32
    return %arg0, %c0_i32 : i32, i32
  }
  func.func @transform_6(%arg0: i32, %arg1: memref<4096xi32, #tpu.memory_space<smem>>, %arg2: memref<4096xi32, #tpu.memory_space<smem>>) -> (i32, i32) {
    %c0_i32 = arith.constant 0 : i32
    %c0_i32_0 = arith.constant 0 : i32
    return %arg0, %c0_i32 : i32, i32
  }
}

</mosaic_0001>

<sc_bundles>
// kernel: kernel.4.cloned.1.call-start
scs
__scs_entry_jumppad:
0x0: {  	(pc) =	sbr.rel $0x88, $3  }
0x1: {  	(tag) =	ssettag $0x0;
	lr =	simm.s32 $0x1  }
0x2: {  	[smem:$0x3F98] =	sst lr;
	_ =	strace $0xD0000000  }
0x3: {  	_ = 	snop  }
0x4: {  	_ = 	snop  }
0x5: {  	_ = 	snop  }
0x6: {  	_ = 	snop  }
0x7: {  	_ = 	snop  }
__scs_overlays_trampoline_lowered:
0x8: {  	[smem:$0x3FA7] =	sst s0  }
0x9: {  	[smem:$0x3FA8] =	sst s1  }
0xa: {  	[smem:$0x3FA9] =	sst s2  }
0xb: {  	[smem:$0x3FAA] =	sst s3  }
0xc: {  	[smem:$0x3FAB] =	sst s4  }
0xd: {  	[smem:$0x3FAC] =	sst s5  }
0xe: {  	[smem:$0x3FAD] =	sst s6  }
0xf: {  	[smem:$0x3FAE] =	sst s7  }
0x10: {  	[smem:$0x3FAF] =	sst s8  }
0x11: {  	[smem:$0x3FB0] =	sst s9;
	s0 =	simm.s32 @!p0 $0x0  }
0x12: {  	s1 =	sld [smem:$0x3F96];
	s0 =	simm.s32 @p0 $0x1  }
0x13: {  	[smem:$0x3FB1] =	sst s0;
	s0 =	simm.s32 @!p1 $0x0  }
0x14: {  	s2 =	sld [smem:$0x3F95];
	s0 =	simm.s32 @p1 $0x1  }
0x15: {  	[smem:$0x3FB2] =	sst s0;
	s0 =	simm.s32 @!p2 $0x0  }
0x16: {  	s3 =	sld [smem:$0x3FDB];
	s0 =	simm.s32 @p2 $0x1  }
0x17: {  	s4 =	simm.s32 $0x1BF5;
	[smem:$0x3FB4] =	sst s0  }
0x18: {  	s0 =	sld [smem:$0x3F97];
	_ =	swait.ge [sflag:s4], $0x0  }
0x19: {  	s7 =	sld [smem:$0x3F98]  }
0x1a: {  	s8 =	sadd.s32 $0xFFFFE003, lr  }
0x1b: {  	s9 =	sadd.s32 $0xFFFFFEF7, lr;
	s5 =	simm.s32 $0xFFFFFFFF;
	p2 =	slt.u32 s8, $0xFFFFF086  }
0x1c: {  	p1 =	slt.u32 s9, $0xF7A;
	s5 =	simm.s32 @!p2 $0x0  }
0x1d: {  	s5 =	simm.s32 @p1 $0x1;
	p0 =	seq.s32 s7, s2  }
0x1e: {  	s7 =	smul.u32 @!p0 $0xF7A, s2;
	p2 =	seq.s32 @!p0 s5, $0x0  }
0x1f: {  	s9 =	smul.u32 $0xF7A, s1;
	s8 =	simm.s32 @!p0 $0x1BF5;
	p2 =	por !p2, p0  }
0x20: {  	[sflag:s8] =	ssyncset.s32 @!p0 $0xFFFFF086;
	s6 =	sadd.s32 @!p0 s3, s7;
	s7 =	simm.s32 @!p0 $0x108  }
0x21: {  	s3 =	sadd.s32 s3, s9;
	s6 =	sadd.s32 @!p0 $0x88, s6;
	s7 =	simm.s32 @p2 $0x1082  }
0x22: {  	[simem:s7], [sflag:s8] =	dma.local @!p0 [hbm:s6], $0xF7A  }
0x23: {  	s9 =	sor.u32 $0xD0000000, s2;
	s6 =	simm.s32 $0x108;
	_ =	swait.ge @!p0 [sflag:s8], $0x0  }
0x24: {  	s3 =	sadd.s32 $0x88, s3;
	s6 =	simm.s32 @!p1 $0x1082;
	[sflag:s4] =	ssyncset.s32 $0xFFFFF086  }
0x25: {  	[simem:s6], [sflag:s4] =	dma.local [hbm:s3], $0xF7A  }
0x26: {  	[smem:$0x3F98] =	sst s1;
	(tag) =	ssettag s2;
	_ =	strace s9  }
0x27: {  	s1 =	sld [smem:$0x3FA8]  }
0x28: {  	s2 =	sld [smem:$0x3FA9]  }
0x29: {  	s4 =	sld [smem:$0x3FAB]  }
0x2a: {  	p0 =	seq.s32 s5, $0x0;
	s5 =	sld [smem:$0x3FAC]  }
0x2b: {  	s6 =	sld [smem:$0x3FAD]  }
0x2c: {  	s7 =	sld [smem:$0x3FAE]  }
0x2d: {  	s3 =	simm.s32 $0x108;
	s8 =	sld [smem:$0x3FAF]  }
0x2e: {  	s3 =	simm.s32 @!p0 $0x1082;
	s9 =	sld [smem:$0x3FB0]  }
0x2f: {  	lr =	sadd.s32 s0, s3;
	s0 =	sld [smem:$0x3FA7]  }
0x30: {  	s3 =	sld [smem:$0x3FAA]  }
0x31: {  	[smem:$0x3FB3] =	sst s10  }
0x32: {  	s10 =	sld [smem:$0x3FB1];
	_ =	sdelay $0x3  }
0x33: {  	p0 =	seq.s32 s10, $0x1;
	s10 =	sld [smem:$0x3FB3];
	_ =	sdelay $0x3  }
0x34: {  	[smem:$0x3FB3] =	sst s10  }
0x35: {  	s10 =	sld [smem:$0x3FB2];
	_ =	sdelay $0x3  }
0x36: {  	p1 =	seq.s32 s10, $0x1;
	s10 =	sld [smem:$0x3FB3];
	_ =	sdelay $0x3  }
0x37: {  	[smem:$0x3FB3] =	sst s10  }
0x38: {  	s10 =	sld [smem:$0x3FB4]  }
0x39: {  	_ = 	snop;
	(pc) =	sbr.ind lr, $3  }
0x3a: {  	_ = 	snop  }
0x3b: {  	_ = 	snop  }
0x3c: {  	p2 =	seq.s32 s10, $0x1;
	s10 =	sld [smem:$0x3FB3]  }
0x3d: {  	_ =	shalt  }
0x3e: {  	_ =	shalt  }
0x3f: {  	_ =	shalt  }
0x40: {  	_ =	shalt  }
0x41: {  	_ =	shalt  }
0x42: {  	_ =	shalt  }
0x43: {  	_ =	shalt  }
0x44: {  	_ =	shalt  }
0x45: {  	_ =	shalt  }
0x46: {  	_ =	shalt  }
0x47: {  	_ =	shalt  }
0x48: {  	_ =	shalt  }
0x49: {  	_ =	shalt  }
0x4a: {  	_ =	shalt  }
0x4b: {  	_ =	shalt  }
0x4c: {  	_ =	shalt  }
0x4d: {  	_ =	shalt  }
0x4e: {  	_ =	shalt  }
0x4f: {  	_ =	shalt  }
0x50: {  	_ =	shalt  }
0x51: {  	_ =	shalt  }
0x52: {  	_ =	shalt  }
0x53: {  	_ =	shalt  }
0x54: {  	_ =	shalt  }
0x55: {  	_ =	shalt  }
0x56: {  	_ =	shalt  }
0x57: {  	_ =	shalt  }
0x58: {  	_ =	shalt  }
0x59: {  	_ =	shalt  }
0x5a: {  	_ =	shalt  }
0x5b: {  	_ =	shalt  }
0x5c: {  	_ =	shalt  }
0x5d: {  	_ =	shalt  }
0x5e: {  	_ =	shalt  }
0x5f: {  	_ =	shalt  }
0x60: {  	_ =	shalt  }
0x61: {  	_ =	shalt  }
0x62: {  	_ =	shalt  }
0x63: {  	_ =	shalt  }
0x64: {  	_ =	shalt  }
0x65: {  	_ =	shalt  }
0x66: {  	_ =	shalt  }
0x67: {  	_ =	shalt  }
0x68: {  	_ =	shalt  }
0x69: {  	_ =	shalt  }
0x6a: {  	_ =	shalt  }
0x6b: {  	_ =	shalt  }
0x6c: {  	_ =	shalt  }
0x6d: {  	_ =	shalt  }
0x6e: {  	_ =	shalt  }
0x6f: {  	_ =	shalt  }
0x70: {  	_ =	shalt  }
0x71: {  	_ =	shalt  }
0x72: {  	_ =	shalt  }
0x73: {  	_ =	shalt  }
0x74: {  	_ =	shalt  }
0x75: {  	_ =	shalt  }
0x76: {  	_ =	shalt  }
0x77: {  	_ =	shalt  }
0x78: {  	_ =	shalt  }
0x79: {  	_ =	shalt  }
0x7a: {  	_ =	shalt  }
0x7b: {  	_ =	shalt  }
0x7c: {  	_ =	shalt  }
0x7d: {  	_ =	shalt  }
0x7e: {  	_ =	shalt  }
0x7f: {  	_ =	shalt  }
0x80: {  	_ =	shalt  }
0x81: {  	_ =	shalt  }
0x82: {  	_ =	shalt  }
0x83: {  	_ =	shalt  }
0x84: {  	_ =	shalt  }
0x85: {  	_ =	shalt  }
0x86: {  	_ =	shalt  }
0x87: {  	_ =	shalt  }
.Lfunc_end0:
.L_simem_size_0:
called_computation_lowered:
.L_overlay_start_0:
0x88: {  	s2 =	sld [smem:$0x3FD9]  }
0x89: {  	s3 =	sld [smem:$0x3FFE];
	_ =	sdelay $0x1  }
0x8a: {  	s1 =	srdreg.scid  }
0x8b: {  	s0 =	sand.u32 $0x1, s1  }
0x8c: {  	s17 =	sshll.u32 s0, $0xA;
	s2 =	sadd.s32 s3, s2  }
0x8d: {  	s2 =	sadd.s32 s2, s17  }
0x8e: {  	[smem:$0x3FBF] =	sst s2  }
0x8f: {  	_ = 	snop  }
0x90: {  	s2 =	sld [smem:$0x3FC9]  }
0x91: {  	s18 =	sld [smem:$0x3FD0];
	(tm) =	ssettm $0x1  }
0x92: {  	s4 =	sld [smem:$0x3FFB];
	_ =	sdelay $0x3  }
0x93: {  	_ =	strace s4  }
0x94: {  	s4 =	sld [smem:$0x3FFC];
	_ =	sdelay $0x3  }
0x95: {  	_ =	strace s4  }
0x96: {  	s4 =	sld [smem:$0x3FFD];
	_ =	sdelay $0x3  }
0x97: {  	_ =	strace s4  }
0x98: {  	_ =	strace $0x8FFFFFFF  }
0x99: {  	s19 =	sld [smem:$0x3FDB];
	_ =	sdelay $0x1  }
0x9a: {  	s5 =	simm.s32 $_scs_section_size  }
0x9b: {  	s6 =	simm.s32 $_size__tile_overlayer_lowered;
	s7 =	simm.s32 $_tile_overlayer_lowered  }
0x9c: {  	s22 =	simm.s32 $0x1BFF;
	s21 =	sshll.u32 s7, $0x1;
	s4 =	sadd.s32 s5, s19  }
0x9d: {  	s8 =	simm.s32 $0x0;
	s20 =	sshll.u32 s6, $0x1;
	s6 =	sadd.s32 s21, s4  }
0x9e: {  	[timem:s8], [sflag:s22] =	dma.local [hbm:s6], s20  }
0x9f: {  	_ =	swait.ge [sflag:s22], s20  }
0xa0: {  	s5 =	ssub.s32 $0x0, s20;
	[sflag:s22] =	ssyncset.done $0x0  }
0xa1: {  	[sflag:s22] =	ssyncadd.s32 s5;
	_ =	sdelay $0x1  }
0xa2: {  	s23 =	simm.s32 $0x1B8B  }
0xa3: {  	_ =	swait.ge [sflag:s23], $0x1  }
0xa4: {  	[sflag:s23] =	ssyncset.done $0x0  }
0xa5: {  	s25 =	simm.s32 $0x1B8E;
	s24 =	sld [smem:$0x3FFE];
	[sflag:s23] =	ssyncadd.s32 $0xFFFFFFFF  }
0xa6: {  	s26 =	simm.s32 $execute0_lowered;
	[smem:$0x3FD2] =	sst s25  }
0xa7: {  	s6 =	sshll.u32 s26, $0x1;
	_ =	strace $0x80000046;
	[dreg:$0x1] =	wrdreg $0xFFFFFFFF  }
0xa8: {  	s28 =	simm.s32 $_size_execute0_lowered;
	s4 =	sadd.s32 s4, s6;
	[dreg:$0x0] =	wrdreg $0x0  }
0xa9: {  	s6 =	sshll.u32 s28, $0x1;
	[dreg:$0x2] =	wrdreg s4  }
0xaa: {  	[dreg:$0x3] =	wrdreg s6  }
0xab: {  	[dreg:$0x4] =	wrdreg $0xC0  }
0xac: {  	_ =	task [dreg:s8], $0x5FFFF  }
0xad: {  	[dreg:$0x1] =	wrdreg $0xFFFFFFFF  }
0xae: {  	[dreg:$0x0] =	wrdreg $0x60  }
0xaf: {  	[dreg:$0x2] =	wrdreg s2  }
0xb0: {  	[dreg:$0x3] =	wrdreg s18  }
0xb1: {  	[dreg:$0x4] =	wrdreg s24  }
0xb2: {  	[dreg:$0x5] =	wrdreg $0x9  }
0xb3: {  	_ =	task.clear_ibuf [dreg:s8], $0x6FFFF;
	_ =	strace $0x90000046  }
0xb4: {  	s29 =	simm.s32 $0x9;
	_ =	strace $0x80000048  }
0xb5: {  	_ =	swait.ge [sflag:s29], $0x1  }
0xb6: {  	[sflag:s29] =	ssyncadd.s32 $0xFFFFFFFF  }
0xb7: {  	_ =	strace $0x90000048  }
0xb8: {  	_ =	sfence  }
0xb9: {  	s30 =	sld [smem:$0x0];
	_ =	sdelay $0x2  }
0xba: {  	s31 =	sshll.u32 s1, $0xD;
	s1 =	sshrl.u32 s1, $0x2  }
0xbb: {  	s3 =	sand.u32 $0x4000, s31;
	s1 =	sadd.s32 s1, s30  }
0xbc: {  	s0 =	sor.u32 s3, s0;
	s1 =	sshll.u32 s1, $0x11  }
0xbd: {  	s0 =	sor.u32 s1, s0  }
0xbe: {  	s0 =	sadd.s32 $0x8F2B, s0  }
0xbf: {  	[sflag:s0] =	ssyncadd.remote.s32 $0x1  }
0xc0: {  	_ =	sfence.sel $0xFFFF  }
0xc1: {  	[dreg:$0x0] =	wrdreg $0xFFFFFFFF;
	(pc) =	sbr.abs _section_cstart, $3  }
0xc2: {  	[dreg:$0x1] =	wrdreg $0xFFFFFFFF  }
0xc3: {  	_ =	task.clear_ibuf [dreg:s8], $0x2FFFF;
	_ =	strace $0x9FFFFFFF  }
0xc4: {  	(tm) =	ssettm $0x7FFFFFFF  }
0xc5: {  	_ =	shalt  }
tec
execute0_lowered:
.L_overlay_start_1:
0x0: {  	(tag) =	ssettag $0x1  }
0x1: {  	s4 =	rddreg [dreg:$0x0];
	s1 =	srdreg.scid  }
0x2: {  	s2 =	rddreg [dreg:$0x1];
	s0 =	stileid.u32  }
0x3: {  	s8 =	rddreg [dreg:$0x2];
	s3 =	simm.s32 $0x0;
	s6 =	sand.u32 $0x1, s1  }
0x4: {  	s5 =	sshll.u32 s0, $0x8;
	s1 =	rddreg [dreg:$0x3];
	s7 =	sshll.u32 s6, $0x7  }
0x5: {  	[smem:$0x7FF] =	sst s3;
	s9 =	sor.u32 s7, s5  }
0x6: {  	_ =	strace $0x80000047;
	s10 =	ssub.s32 $0x2, s6;
	s5 =	sshrl.u32 s9, $0x3  }
0x7: {  	s6 =	simm.s32 $0x80;
	s5 =	sadd.s32 s4, s5;
	s4 =	simm.s32 $0x2  }
0x8: {  	[tilespmem:s3], [sflag:$0x2] =	stream.linear.gather [hbm4b:s5+s3], $0x80, $0x38;
	[tilespmem:$0x880] =	vst v63  }
0x9: {  	s7 =	simm.s32 $0x1;
	s11 =	sshrl.u32 s10, $0x1;
	_ =	swait.ge [sflag:s4], $0x80  }
0xa: {  	s9 =	sshll.u32 s9, $0x1;
	s31 =	ssub.s32 s10, s11;
	[sflag:s4] =	ssyncset.done $0x0  }
0xb: {  	s8 =	sadd.s32 s9, s8;
	s9 =	smax.u32 s31, $0x1;
	[sflag:s4] =	ssyncadd.s32 $0xFFFFFF80  }
0xc: {  	[tilespmem:s6], [sflag:$0x1] =	stream.indirect.gather [hbm4b:s2+s6], $0x10, s3, s6, $0xb8;
	[tilespmem:$0x880] =	vst v63  }
0xd: {  	p0 =	sne.s32 s9, $0x1;
	_ =	swait.ge [sflag:s7], $0x800  }
.Ltmp0:
0xe: {  	[sflag:s7] =	ssyncset.done $0x0;
	(pc) =	sbr.rel @!p0 .LBB2_2-.Ltmp0, $4  }
0xf: {  	s8 =	sadd.s32 $0x600, s8;
	[sflag:s7] =	ssyncadd.s32 $0xFFFFF800  }
0x10: {  	[hbm4b:s8+s3] =	stream.linear.scatter [tilespmem:s6], [sflag:$0x2], $0x800, $0x38;
	[tilespmem:$0x880] =	vst v63  }
0x11: {  	_ =	swait.ge [sflag:s4], $0x800  }
0x12: {  	s9 =	sadd.s32 $0xFFFFFFFF, s9;
	[sflag:s4] =	ssyncset.done $0x0  }
.LBB2_1:
0x13: {  	p0 =	sne.s32 s9, $0x1;
	s9 =	sadd.s32 $0xFFFFFFFF, s9;
	[sflag:s4] =	ssyncadd.s32 $0xFFFFF800  }
0x14: {  	[tilespmem:s3], [sflag:$0x2] =	stream.linear.gather [hbm4b:s5+s3], $0x80, $0x38;
	[tilespmem:$0x880] =	vst v63  }
0x15: {  	_ =	swait.ge [sflag:s4], $0x80  }
0x16: {  	[sflag:s4] =	ssyncset.done $0x0  }
0x17: {  	[sflag:s4] =	ssyncadd.s32 $0xFFFFFF80  }
0x18: {  	[tilespmem:s6], [sflag:$0x1] =	stream.indirect.gather [hbm4b:s2+s6], $0x10, s3, s6, $0xb8;
	[tilespmem:$0x880] =	vst v63  }
0x19: {  	_ =	swait.ge [sflag:s7], $0x800  }
.Ltmp1:
0x1a: {  	[sflag:s7] =	ssyncset.done $0x0;
	(pc) =	sbr.rel @p0 .LBB2_1-.Ltmp1, $4  }
0x1b: {  	[sflag:s7] =	ssyncadd.s32 $0xFFFFF800  }
0x1c: {  	[hbm4b:s8+s3] =	stream.linear.scatter [tilespmem:s6], [sflag:$0x2], $0x800, $0x38;
	[tilespmem:$0x880] =	vst v63  }
0x1d: {  	_ =	swait.ge [sflag:s4], $0x800  }
0x1e: {  	[sflag:s4] =	ssyncset.done $0x0  }
.LBB2_2:
0x1f: {  	[sflag:s4] =	ssyncadd.s32 $0xFFFFF800  }
0x20: {  	_ =	sfence.sel $0x180000  }
0x21: {  	[bflag:$0x0] =	sbarrier.arrive $0xFFFF  }
0x22: {  	p0 =	sne.s32 s0, $0x0;
	_ =	strace $0x90000047  }
0x23: {  	s0 =	sadd.s32 @!p0 $0x100000, s1;
	[bflag:$0x2] =	sbarrier.arrive $0xFFFF  }
0x24: {  	[sflag:s0] =	ssyncadd.tile.s32 @!p0 $0x1;
	_ =	shalt  }
.Lfunc_end2:
_tile_overlayer_lowered:
.L_overlay_start_2:
0x25: {  	(tag) =	ssettag $0x2  }
0x26: {  	s0 =	rddreg [dreg:$0x0];
	s2 =	stileid.u32  }
0x27: {  	s1 =	rddreg [dreg:$0x1];
	p0 =	sne.s32 s2, $0x0  }
0x28: {  	s3 =	rddreg [dreg:$0x2];
	[bflag:$0x3] =	sbarrier.arrive $0xFFFF;
	s2 =	simm.s32 @!p0 $0x1C02  }
0x29: {  	[timem:s3], [sflag:s2] =	dma.local @!p0 [hbm:s0], s1  }
0x2a: {  	s0 =	simm.s32 @!p0 $0x2  }
0x2b: {  	_ =	swait.ge @!p0 [sflag:s0], s1  }
0x2c: {  	s1 =	ssub.s32 @!p0 $0x0, s1;
	[sflag:s0] =	ssyncset.done @!p0 $0x0  }
0x2d: {  	[sflag:s0] =	ssyncadd.s32 @!p0 s1  }
0x2e: {  	[bflag:$0x3] =	sbarrier.arrive $0xFFFF  }
0x2f: {  	_ =	shalt  }

</sc_bundles>
